<compile_context>
chip_gen: v7x
topology: tpu7x:2x2x1
jax: 0.10.2.dev20260603
libtpu: 0.0.44.dev20260713+nightly
codegen_flags: <defaults>
</compile_context>

<pallas_src>
import functools
import jax
import jax.numpy as jnp
from jax import lax
from jax.experimental import pallas as pl
from jax.experimental.pallas import tpu as pltpu
from jax.experimental.pallas import tpu_sc as plsc


def kernel(membership, table):
    B, S, D = membership.shape
    E = table.shape[1]
    N = B * S * D
    NW = 32
    NJ = N // 4
    PERW = NJ // NW
    CH = 256
    NCH = PERW // CH

    m4 = membership.reshape(NJ, 4).astype(jnp.int32)
    j1 = m4[:, 0] + 2 * m4[:, 1] + 4 * m4[:, 2] + 8 * m4[:, 3]

    bits = jnp.arange(16, dtype=jnp.int32)
    combo = jnp.stack([(bits >> k) & 1 for k in range(4)], axis=1)
    lut = table[combo].reshape(16, 4 * E)

    mesh = plsc.VectorSubcoreMesh(core_axis_name="c", subcore_axis_name="s")

    @functools.partial(
        pl.kernel,
        mesh=mesh,
        out_type=jax.ShapeDtypeStruct((NJ, 4 * E), jnp.float32),
        scratch_types=[
            pltpu.VMEM((CH,), jnp.int32),
            pltpu.VMEM((CH,), jnp.int32),
            pltpu.VMEM((CH, 4 * E), jnp.float32),
            pltpu.VMEM((CH, 4 * E), jnp.float32),
            pltpu.SemaphoreType.DMA,
        ],
    )
    def sc_lookup(j_hbm, lut_hbm, out_hbm, j0, j1, rows0, rows1, sem):
        wid = lax.axis_index("s") * 2 + lax.axis_index("c")
        base = wid * PERW

        def gather(j_v, rows_v):
            h0 = pltpu.async_copy(
                lut_hbm.at[j_v.at[pl.ds(0, 128)]], rows_v.at[pl.ds(0, 128)], sem)
            h1 = pltpu.async_copy(
                lut_hbm.at[j_v.at[pl.ds(128, 128)]], rows_v.at[pl.ds(128, 128)], sem)
            return h0, h1

        def load_j(chunk, j_v):
            pltpu.sync_copy(j_hbm.at[pl.ds(pl.multiple_of(base + chunk * CH, CH), CH)], j_v)

        def store(chunk, rows_v):
            pltpu.sync_copy(rows_v, out_hbm.at[pl.ds(pl.multiple_of(base + chunk * CH, CH), CH)])

        load_j(0, j0)

        def step(k, carry):
            a = 2 * k
            ha = gather(j0, rows0)
            @pl.when(k > 0)
            def _():
                store(a - 1, rows1)
            load_j(a + 1, j1)
            ha[0].wait()
            ha[1].wait()
            hc = gather(j1, rows1)
            store(a, rows0)
            load_j(a + 2, j0)
            hc[0].wait()
            hc[1].wait()
            return carry

        lax.fori_loop(0, (NCH - 1) // 2, step, 0)
        store(NCH - 2, rows1)
        ht = gather(j0, rows0)
        ht[0].wait()
        ht[1].wait()
        store(NCH - 1, rows0)

    out2 = sc_lookup(j1, lut)
    return out2.reshape(B, S, D, E)

# --- scband reference (transcript-rebuilt; emitter-appended) ---
"""Pipeline reference for scband-category-embedding-25357486916039 (READ-ONLY COPY).

The authoritative reference and input builder live on the scoring server;
editing this copy changes nothing except your own understanding.
"""

import jax, jax.numpy as jnp
import numpy as np


def setup_inputs(seed: int = 0) -> dict:
    key = jax.random.key(seed)
    k1, k2 = jax.random.split(key)
    membership = jax.random.randint(k1, (4096, 50, 20), 0, 2, dtype=jnp.int64 if jax.config.jax_enable_x64 else jnp.int32)
    # learned embedding table: [num_categories=2, embedding_dim=32]
    table = jax.random.normal(k2, (2, 32), dtype=jnp.float32)
    return {"membership": membership, "table": table}


def reference(membership, table):
    # membership: [B, S, D] int with values in {0,1}
    # table: [2, E]
    # Faithful to nn.Embedding: gather rows of the table by index.
    idx = membership.astype(jnp.int32)
    return jnp.take(table, idx, axis=0)  # [B, S, D, E]

if __name__ == "__main__":
    import jax
    _d = setup_inputs()
    print(jax.jit(kernel)(*tuple(_d.values())))

</pallas_src>

<mosaic_0001>
#map = affine_map<(d0, d1) -> (0)>
#map1 = affine_map<(d0, d1) -> (0, 0)>
module attributes {stable_mosaic.version = 14 : i64} {
  func.func @sc_lookup(%arg0: i32, %arg1: i32, %arg2: memref<1024000xi32, #tpu.memory_space<hbm>>, %arg3: memref<16x128xf32, #tpu.memory_space<hbm>>, %arg4: memref<1024000x128xf32, #tpu.memory_space<hbm>>, %arg5: memref<256xi32, #tpu.memory_space<vmem>>, %arg6: memref<256xi32, #tpu.memory_space<vmem>>, %arg7: memref<256x128xf32, #tpu.memory_space<vmem>>, %arg8: memref<256x128xf32, #tpu.memory_space<vmem>>, %arg9: memref<!tpu.dma_semaphore, #tpu.memory_space<semaphore_mem>>) attributes {dimension_semantics = [#tpu.dimension_semantics<core_parallel>, #tpu.dimension_semantics<subcore_parallel>], iteration_bounds = array<i64: 2, 16>, scalar_prefetch = 0 : i64, scratch_operands = 5 : i64, tpu.core_type = #tpu.core_type<sc_vector_subcore>, window_params = [{transform_indices = #map}, {transform_indices = #map1}, {transform_indices = #map1}]} {
    %mul3A = arith.constant 2 : i32
    %mul3A_0 = arith.muli %arg1, %mul3A : i32
    %add3A = arith.addi %mul3A_0, %arg0 : i32
    %mul3A_1 = arith.constant 32000 : i32
    %mul3A_2 = arith.muli %add3A, %mul3A_1 : i32
    %add3A_3 = arith.constant 0 : i32
    %add3A_4 = arith.addi %mul3A_2, %add3A_3 : i32
    %multiple_of3A = tpu.assume_multiple %add3A_4, 256 : i32
    "tpu.region"() ({
      %run_scoped3A = tpu.sem_alloc : memref<!tpu.dma_semaphore, #tpu.memory_space<semaphore_mem>>
      %dma_start3A_46 = tpu.memref_slice %arg2[%multiple_of3A] : memref<1024000xi32, #tpu.memory_space<hbm>> -> memref<256xi32, #tpu.memory_space<hbm>>
      %dma_start3A_47 = tpu.memref_slice %arg2[%multiple_of3A] : memref<1024000xi32, #tpu.memory_space<hbm>> -> memref<256xi32, #tpu.memory_space<hbm>>
      tpu.enqueue_dma source(%dma_start3A_47 : memref<256xi32, #tpu.memory_space<hbm>>) target(%arg5 : memref<256xi32, #tpu.memory_space<vmem>>) target_semaphore(%run_scoped3A : memref<!tpu.dma_semaphore, #tpu.memory_space<semaphore_mem>>)
      %dma_wait3A_48 = tpu.memref_slice %arg2[%multiple_of3A] : memref<1024000xi32, #tpu.memory_space<hbm>> -> memref<256xi32, #tpu.memory_space<hbm>>
      %dma_wait3A_49 = tpu.memref_slice %arg2[%multiple_of3A] : memref<1024000xi32, #tpu.memory_space<hbm>> -> memref<256xi32, #tpu.memory_space<hbm>>
      tpu.wait_dma2 semaphore(%run_scoped3A : memref<!tpu.dma_semaphore, #tpu.memory_space<semaphore_mem>>) src(%dma_wait3A_49 : memref<256xi32, #tpu.memory_space<hbm>>) dst(%arg5 : memref<256xi32, #tpu.memory_space<vmem>>)
      tpu.yield
    }) : () -> ()
    %scan3A = arith.constant 0 : i32
    %scan3A_5 = arith.constant 0 : i32
    %scan3A_6 = arith.constant 62 : i32
    %scan3A_7 = arith.addi %scan3A_5, %scan3A_6 : i32
    %scan3A_8 = arith.constant 1 : i32
    scf.for %scan3A_46 = %scan3A_5 to %scan3A_7 step %scan3A_8  : i32 {
      %mul3A_47 = arith.constant 2 : i32
      %mul3A_48 = arith.muli %mul3A_47, %scan3A_46 : i32
      %dma_start3A_49 = arith.constant 0 : i32
      %dma_start3A_50 = arith.constant 0 : i32
      %dma_start3A_51 = tpu.memref_slice %arg7[%dma_start3A_49, %dma_start3A_50] : memref<256x128xf32, #tpu.memory_space<vmem>> -> memref<128x128xf32, #tpu.memory_space<vmem>>
      %dma_start3A_52 = arith.constant 0 : i32
      %dma_start3A_53 = tpu.memref_slice %arg5[%dma_start3A_52] : memref<256xi32, #tpu.memory_space<vmem>> -> memref<128xi32, #tpu.memory_space<vmem>>
      %dma_start3A_54 = arith.constant 0 : i32
      %dma_start3A_55 = arith.constant 0 : i32
      %dma_start3A_56 = tpu.memref_slice %arg3[%dma_start3A_54, %dma_start3A_55] : memref<16x128xf32, #tpu.memory_space<hbm>> -> memref<16x128xf32, #tpu.memory_space<hbm>>
      tpu.enqueue_indirect_dma source(%dma_start3A_56 : memref<16x128xf32, #tpu.memory_space<hbm>>) target(%dma_start3A_51 : memref<128x128xf32, #tpu.memory_space<vmem>>) offsets(%dma_start3A_53 : memref<128xi32, #tpu.memory_space<vmem>>) semaphore(%arg9 : memref<!tpu.dma_semaphore, #tpu.memory_space<semaphore_mem>>)
      %dma_start3A_57 = arith.constant 128 : i32
      %dma_start3A_58 = arith.constant 0 : i32
      %dma_start3A_59 = tpu.memref_slice %arg7[%dma_start3A_57, %dma_start3A_58] : memref<256x128xf32, #tpu.memory_space<vmem>> -> memref<128x128xf32, #tpu.memory_space<vmem>>
      %dma_start3A_60 = arith.constant 128 : i32
      %dma_start3A_61 = tpu.memref_slice %arg5[%dma_start3A_60] : memref<256xi32, #tpu.memory_space<vmem>> -> memref<128xi32, #tpu.memory_space<vmem>>
      %dma_start3A_62 = arith.constant 0 : i32
      %dma_start3A_63 = arith.constant 0 : i32
      %dma_start3A_64 = tpu.memref_slice %arg3[%dma_start3A_62, %dma_start3A_63] : memref<16x128xf32, #tpu.memory_space<hbm>> -> memref<16x128xf32, #tpu.memory_space<hbm>>
      tpu.enqueue_indirect_dma source(%dma_start3A_64 : memref<16x128xf32, #tpu.memory_space<hbm>>) target(%dma_start3A_59 : memref<128x128xf32, #tpu.memory_space<vmem>>) offsets(%dma_start3A_61 : memref<128xi32, #tpu.memory_space<vmem>>) semaphore(%arg9 : memref<!tpu.dma_semaphore, #tpu.memory_space<semaphore_mem>>)
      %gt3A = arith.constant 0 : i32
      %gt3A_65 = arith.cmpi sgt, %scan3A_46, %gt3A : i32
      %convert_element_type3A = arith.extui %gt3A_65 : i1 to i32
      %cond3A = arith.constant 0 : i32
      %cond3A_66 = arith.cmpi ne, %convert_element_type3A, %cond3A : i32
      scf.if %cond3A_66 {
        %sub3A = arith.constant 1 : i32
        %sub3A_131 = arith.subi %mul3A_48, %sub3A : i32
        %mul3A_132 = arith.constant 256 : i32
        %mul3A_133 = arith.muli %sub3A_131, %mul3A_132 : i32
        %add3A_134 = arith.addi %mul3A_2, %mul3A_133 : i32
        %multiple_of3A_135 = tpu.assume_multiple %add3A_134, 256 : i32
        "tpu.region"() ({
          %run_scoped3A = tpu.sem_alloc : memref<!tpu.dma_semaphore, #tpu.memory_space<semaphore_mem>>
          %dma_start3A_136 = arith.constant 0 : i32
          %dma_start3A_137 = tpu.memref_slice %arg4[%multiple_of3A_135, %dma_start3A_136] : memref<1024000x128xf32, #tpu.memory_space<hbm>> -> memref<256x128xf32, #tpu.memory_space<hbm>>
          %dma_start3A_138 = arith.constant 0 : i32
          %dma_start3A_139 = tpu.memref_slice %arg4[%multiple_of3A_135, %dma_start3A_138] : memref<1024000x128xf32, #tpu.memory_space<hbm>> -> memref<256x128xf32, #tpu.memory_space<hbm>>
          tpu.enqueue_dma source(%arg8 : memref<256x128xf32, #tpu.memory_space<vmem>>) target(%dma_start3A_139 : memref<256x128xf32, #tpu.memory_space<hbm>>) target_semaphore(%run_scoped3A : memref<!tpu.dma_semaphore, #tpu.memory_space<semaphore_mem>>)
          %dma_wait3A_140 = arith.constant 0 : i32
          %dma_wait3A_141 = tpu.memref_slice %arg4[%multiple_of3A_135, %dma_wait3A_140] : memref<1024000x128xf32, #tpu.memory_space<hbm>> -> memref<256x128xf32, #tpu.memory_space<hbm>>
          %dma_wait3A_142 = arith.constant 0 : i32
          %dma_wait3A_143 = tpu.memref_slice %arg4[%multiple_of3A_135, %dma_wait3A_142] : memref<1024000x128xf32, #tpu.memory_space<hbm>> -> memref<256x128xf32, #tpu.memory_space<hbm>>
          tpu.wait_dma2 semaphore(%run_scoped3A : memref<!tpu.dma_semaphore, #tpu.memory_space<semaphore_mem>>) src(%arg8 : memref<256x128xf32, #tpu.memory_space<vmem>>) dst(%dma_wait3A_143 : memref<256x128xf32, #tpu.memory_space<hbm>>)
          tpu.yield
        }) : () -> ()
      } else {
      }
      %add3A_67 = arith.constant 1 : i32
      %add3A_68 = arith.addi %mul3A_48, %add3A_67 : i32
      %mul3A_69 = arith.constant 256 : i32
      %mul3A_70 = arith.muli %add3A_68, %mul3A_69 : i32
      %add3A_71 = arith.addi %mul3A_2, %mul3A_70 : i32
      %multiple_of3A_72 = tpu.assume_multiple %add3A_71, 256 : i32
      "tpu.region"() ({
        %run_scoped3A = tpu.sem_alloc : memref<!tpu.dma_semaphore, #tpu.memory_space<semaphore_mem>>
        %dma_start3A_131 = tpu.memref_slice %arg2[%multiple_of3A_72] : memref<1024000xi32, #tpu.memory_space<hbm>> -> memref<256xi32, #tpu.memory_space<hbm>>
        %dma_start3A_132 = tpu.memref_slice %arg2[%multiple_of3A_72] : memref<1024000xi32, #tpu.memory_space<hbm>> -> memref<256xi32, #tpu.memory_space<hbm>>
        tpu.enqueue_dma source(%dma_start3A_132 : memref<256xi32, #tpu.memory_space<hbm>>) target(%arg6 : memref<256xi32, #tpu.memory_space<vmem>>) target_semaphore(%run_scoped3A : memref<!tpu.dma_semaphore, #tpu.memory_space<semaphore_mem>>)
        %dma_wait3A_133 = tpu.memref_slice %arg2[%multiple_of3A_72] : memref<1024000xi32, #tpu.memory_space<hbm>> -> memref<256xi32, #tpu.memory_space<hbm>>
        %dma_wait3A_134 = tpu.memref_slice %arg2[%multiple_of3A_72] : memref<1024000xi32, #tpu.memory_space<hbm>> -> memref<256xi32, #tpu.memory_space<hbm>>
        tpu.wait_dma2 semaphore(%run_scoped3A : memref<!tpu.dma_semaphore, #tpu.memory_space<semaphore_mem>>) src(%dma_wait3A_134 : memref<256xi32, #tpu.memory_space<hbm>>) dst(%arg6 : memref<256xi32, #tpu.memory_space<vmem>>)
        tpu.yield
      }) : () -> ()
      %dma_wait3A_73 = arith.constant 0 : i32
      %dma_wait3A_74 = arith.constant 0 : i32
      %dma_wait3A_75 = tpu.memref_slice %arg7[%dma_wait3A_73, %dma_wait3A_74] : memref<256x128xf32, #tpu.memory_space<vmem>> -> memref<128x128xf32, #tpu.memory_space<vmem>>
      %dma_wait3A_76 = arith.constant 0 : i32
      %dma_wait3A_77 = tpu.memref_slice %arg5[%dma_wait3A_76] : memref<256xi32, #tpu.memory_space<vmem>> -> memref<128xi32, #tpu.memory_space<vmem>>
      %dma_wait3A_78 = arith.constant 0 : i32
      %dma_wait3A_79 = arith.constant 0 : i32
      %dma_wait3A_80 = tpu.memref_slice %arg3[%dma_wait3A_78, %dma_wait3A_79] : memref<16x128xf32, #tpu.memory_space<hbm>> -> memref<16x128xf32, #tpu.memory_space<hbm>>
      tpu.wait_indirect_dma semaphore(%arg9 : memref<!tpu.dma_semaphore, #tpu.memory_space<semaphore_mem>>) src(%dma_wait3A_80 : memref<16x128xf32, #tpu.memory_space<hbm>>) dst(%dma_wait3A_75 : memref<128x128xf32, #tpu.memory_space<vmem>>)
      %dma_wait3A_81 = arith.constant 128 : i32
      %dma_wait3A_82 = arith.constant 0 : i32
      %dma_wait3A_83 = tpu.memref_slice %arg7[%dma_wait3A_81, %dma_wait3A_82] : memref<256x128xf32, #tpu.memory_space<vmem>> -> memref<128x128xf32, #tpu.memory_space<vmem>>
      %dma_wait3A_84 = arith.constant 128 : i32
      %dma_wait3A_85 = tpu.memref_slice %arg5[%dma_wait3A_84] : memref<256xi32, #tpu.memory_space<vmem>> -> memref<128xi32, #tpu.memory_space<vmem>>
      %dma_wait3A_86 = arith.constant 0 : i32
      %dma_wait3A_87 = arith.constant 0 : i32
      %dma_wait3A_88 = tpu.memref_slice %arg3[%dma_wait3A_86, %dma_wait3A_87] : memref<16x128xf32, #tpu.memory_space<hbm>> -> memref<16x128xf32, #tpu.memory_space<hbm>>
      tpu.wait_indirect_dma semaphore(%arg9 : memref<!tpu.dma_semaphore, #tpu.memory_space<semaphore_mem>>) src(%dma_wait3A_88 : memref<16x128xf32, #tpu.memory_space<hbm>>) dst(%dma_wait3A_83 : memref<128x128xf32, #tpu.memory_space<vmem>>)
      %dma_start3A_89 = arith.constant 0 : i32
      %dma_start3A_90 = arith.constant 0 : i32
      %dma_start3A_91 = tpu.memref_slice %arg8[%dma_start3A_89, %dma_start3A_90] : memref<256x128xf32, #tpu.memory_space<vmem>> -> memref<128x128xf32, #tpu.memory_space<vmem>>
      %dma_start3A_92 = arith.constant 0 : i32
      %dma_start3A_93 = tpu.memref_slice %arg6[%dma_start3A_92] : memref<256xi32, #tpu.memory_space<vmem>> -> memref<128xi32, #tpu.memory_space<vmem>>
      %dma_start3A_94 = arith.constant 0 : i32
      %dma_start3A_95 = arith.constant 0 : i32
      %dma_start3A_96 = tpu.memref_slice %arg3[%dma_start3A_94, %dma_start3A_95] : memref<16x128xf32, #tpu.memory_space<hbm>> -> memref<16x128xf32, #tpu.memory_space<hbm>>
      tpu.enqueue_indirect_dma source(%dma_start3A_96 : memref<16x128xf32, #tpu.memory_space<hbm>>) target(%dma_start3A_91 : memref<128x128xf32, #tpu.memory_space<vmem>>) offsets(%dma_start3A_93 : memref<128xi32, #tpu.memory_space<vmem>>) semaphore(%arg9 : memref<!tpu.dma_semaphore, #tpu.memory_space<semaphore_mem>>)
      %dma_start3A_97 = arith.constant 128 : i32
      %dma_start3A_98 = arith.constant 0 : i32
      %dma_start3A_99 = tpu.memref_slice %arg8[%dma_start3A_97, %dma_start3A_98] : memref<256x128xf32, #tpu.memory_space<vmem>> -> memref<128x128xf32, #tpu.memory_space<vmem>>
      %dma_start3A_100 = arith.constant 128 : i32
      %dma_start3A_101 = tpu.memref_slice %arg6[%dma_start3A_100] : memref<256xi32, #tpu.memory_space<vmem>> -> memref<128xi32, #tpu.memory_space<vmem>>
      %dma_start3A_102 = arith.constant 0 : i32
      %dma_start3A_103 = arith.constant 0 : i32
      %dma_start3A_104 = tpu.memref_slice %arg3[%dma_start3A_102, %dma_start3A_103] : memref<16x128xf32, #tpu.memory_space<hbm>> -> memref<16x128xf32, #tpu.memory_space<hbm>>
      tpu.enqueue_indirect_dma source(%dma_start3A_104 : memref<16x128xf32, #tpu.memory_space<hbm>>) target(%dma_start3A_99 : memref<128x128xf32, #tpu.memory_space<vmem>>) offsets(%dma_start3A_101 : memref<128xi32, #tpu.memory_space<vmem>>) semaphore(%arg9 : memref<!tpu.dma_semaphore, #tpu.memory_space<semaphore_mem>>)
      %mul3A_105 = arith.constant 256 : i32
      %mul3A_106 = arith.muli %mul3A_48, %mul3A_105 : i32
      %add3A_107 = arith.addi %mul3A_2, %mul3A_106 : i32
      %multiple_of3A_108 = tpu.assume_multiple %add3A_107, 256 : i32
      "tpu.region"() ({
        %run_scoped3A = tpu.sem_alloc : memref<!tpu.dma_semaphore, #tpu.memory_space<semaphore_mem>>
        %dma_start3A_131 = arith.constant 0 : i32
        %dma_start3A_132 = tpu.memref_slice %arg4[%multiple_of3A_108, %dma_start3A_131] : memref<1024000x128xf32, #tpu.memory_space<hbm>> -> memref<256x128xf32, #tpu.memory_space<hbm>>
        %dma_start3A_133 = arith.constant 0 : i32
        %dma_start3A_134 = tpu.memref_slice %arg4[%multiple_of3A_108, %dma_start3A_133] : memref<1024000x128xf32, #tpu.memory_space<hbm>> -> memref<256x128xf32, #tpu.memory_space<hbm>>
        tpu.enqueue_dma source(%arg7 : memref<256x128xf32, #tpu.memory_space<vmem>>) target(%dma_start3A_134 : memref<256x128xf32, #tpu.memory_space<hbm>>) target_semaphore(%run_scoped3A : memref<!tpu.dma_semaphore, #tpu.memory_space<semaphore_mem>>)
        %dma_wait3A_135 = arith.constant 0 : i32
        %dma_wait3A_136 = tpu.memref_slice %arg4[%multiple_of3A_108, %dma_wait3A_135] : memref<1024000x128xf32, #tpu.memory_space<hbm>> -> memref<256x128xf32, #tpu.memory_space<hbm>>
        %dma_wait3A_137 = arith.constant 0 : i32
        %dma_wait3A_138 = tpu.memref_slice %arg4[%multiple_of3A_108, %dma_wait3A_137] : memref<1024000x128xf32, #tpu.memory_space<hbm>> -> memref<256x128xf32, #tpu.memory_space<hbm>>
        tpu.wait_dma2 semaphore(%run_scoped3A : memref<!tpu.dma_semaphore, #tpu.memory_space<semaphore_mem>>) src(%arg7 : memref<256x128xf32, #tpu.memory_space<vmem>>) dst(%dma_wait3A_138 : memref<256x128xf32, #tpu.memory_space<hbm>>)
        tpu.yield
      }) : () -> ()
      %add3A_109 = arith.constant 2 : i32
      %add3A_110 = arith.addi %mul3A_48, %add3A_109 : i32
      %mul3A_111 = arith.constant 256 : i32
      %mul3A_112 = arith.muli %add3A_110, %mul3A_111 : i32
      %add3A_113 = arith.addi %mul3A_2, %mul3A_112 : i32
      %multiple_of3A_114 = tpu.assume_multiple %add3A_113, 256 : i32
      "tpu.region"() ({
        %run_scoped3A = tpu.sem_alloc : memref<!tpu.dma_semaphore, #tpu.memory_space<semaphore_mem>>
        %dma_start3A_131 = tpu.memref_slice %arg2[%multiple_of3A_114] : memref<1024000xi32, #tpu.memory_space<hbm>> -> memref<256xi32, #tpu.memory_space<hbm>>
        %dma_start3A_132 = tpu.memref_slice %arg2[%multiple_of3A_114] : memref<1024000xi32, #tpu.memory_space<hbm>> -> memref<256xi32, #tpu.memory_space<hbm>>
        tpu.enqueue_dma source(%dma_start3A_132 : memref<256xi32, #tpu.memory_space<hbm>>) target(%arg5 : memref<256xi32, #tpu.memory_space<vmem>>) target_semaphore(%run_scoped3A : memref<!tpu.dma_semaphore, #tpu.memory_space<semaphore_mem>>)
        %dma_wait3A_133 = tpu.memref_slice %arg2[%multiple_of3A_114] : memref<1024000xi32, #tpu.memory_space<hbm>> -> memref<256xi32, #tpu.memory_space<hbm>>
        %dma_wait3A_134 = tpu.memref_slice %arg2[%multiple_of3A_114] : memref<1024000xi32, #tpu.memory_space<hbm>> -> memref<256xi32, #tpu.memory_space<hbm>>
        tpu.wait_dma2 semaphore(%run_scoped3A : memref<!tpu.dma_semaphore, #tpu.memory_space<semaphore_mem>>) src(%dma_wait3A_134 : memref<256xi32, #tpu.memory_space<hbm>>) dst(%arg5 : memref<256xi32, #tpu.memory_space<vmem>>)
        tpu.yield
      }) : () -> ()
      %dma_wait3A_115 = arith.constant 0 : i32
      %dma_wait3A_116 = arith.constant 0 : i32
      %dma_wait3A_117 = tpu.memref_slice %arg8[%dma_wait3A_115, %dma_wait3A_116] : memref<256x128xf32, #tpu.memory_space<vmem>> -> memref<128x128xf32, #tpu.memory_space<vmem>>
      %dma_wait3A_118 = arith.constant 0 : i32
      %dma_wait3A_119 = tpu.memref_slice %arg6[%dma_wait3A_118] : memref<256xi32, #tpu.memory_space<vmem>> -> memref<128xi32, #tpu.memory_space<vmem>>
      %dma_wait3A_120 = arith.constant 0 : i32
      %dma_wait3A_121 = arith.constant 0 : i32
      %dma_wait3A_122 = tpu.memref_slice %arg3[%dma_wait3A_120, %dma_wait3A_121] : memref<16x128xf32, #tpu.memory_space<hbm>> -> memref<16x128xf32, #tpu.memory_space<hbm>>
      tpu.wait_indirect_dma semaphore(%arg9 : memref<!tpu.dma_semaphore, #tpu.memory_space<semaphore_mem>>) src(%dma_wait3A_122 : memref<16x128xf32, #tpu.memory_space<hbm>>) dst(%dma_wait3A_117 : memref<128x128xf32, #tpu.memory_space<vmem>>)
      %dma_wait3A_123 = arith.constant 128 : i32
      %dma_wait3A_124 = arith.constant 0 : i32
      %dma_wait3A_125 = tpu.memref_slice %arg8[%dma_wait3A_123, %dma_wait3A_124] : memref<256x128xf32, #tpu.memory_space<vmem>> -> memref<128x128xf32, #tpu.memory_space<vmem>>
      %dma_wait3A_126 = arith.constant 128 : i32
      %dma_wait3A_127 = tpu.memref_slice %arg6[%dma_wait3A_126] : memref<256xi32, #tpu.memory_space<vmem>> -> memref<128xi32, #tpu.memory_space<vmem>>
      %dma_wait3A_128 = arith.constant 0 : i32
      %dma_wait3A_129 = arith.constant 0 : i32
      %dma_wait3A_130 = tpu.memref_slice %arg3[%dma_wait3A_128, %dma_wait3A_129] : memref<16x128xf32, #tpu.memory_space<hbm>> -> memref<16x128xf32, #tpu.memory_space<hbm>>
      tpu.wait_indirect_dma semaphore(%arg9 : memref<!tpu.dma_semaphore, #tpu.memory_space<semaphore_mem>>) src(%dma_wait3A_130 : memref<16x128xf32, #tpu.memory_space<hbm>>) dst(%dma_wait3A_125 : memref<128x128xf32, #tpu.memory_space<vmem>>)
    }
    %scan3A_9 = arith.constant 62 : i32
    %add3A_10 = arith.constant 31488 : i32
    %add3A_11 = arith.addi %mul3A_2, %add3A_10 : i32
    %multiple_of3A_12 = tpu.assume_multiple %add3A_11, 256 : i32
    "tpu.region"() ({
      %run_scoped3A = tpu.sem_alloc : memref<!tpu.dma_semaphore, #tpu.memory_space<semaphore_mem>>
      %dma_start3A_46 = arith.constant 0 : i32
      %dma_start3A_47 = tpu.memref_slice %arg4[%multiple_of3A_12, %dma_start3A_46] : memref<1024000x128xf32, #tpu.memory_space<hbm>> -> memref<256x128xf32, #tpu.memory_space<hbm>>
      %dma_start3A_48 = arith.constant 0 : i32
      %dma_start3A_49 = tpu.memref_slice %arg4[%multiple_of3A_12, %dma_start3A_48] : memref<1024000x128xf32, #tpu.memory_space<hbm>> -> memref<256x128xf32, #tpu.memory_space<hbm>>
      tpu.enqueue_dma source(%arg8 : memref<256x128xf32, #tpu.memory_space<vmem>>) target(%dma_start3A_49 : memref<256x128xf32, #tpu.memory_space<hbm>>) target_semaphore(%run_scoped3A : memref<!tpu.dma_semaphore, #tpu.memory_space<semaphore_mem>>)
      %dma_wait3A_50 = arith.constant 0 : i32
      %dma_wait3A_51 = tpu.memref_slice %arg4[%multiple_of3A_12, %dma_wait3A_50] : memref<1024000x128xf32, #tpu.memory_space<hbm>> -> memref<256x128xf32, #tpu.memory_space<hbm>>
      %dma_wait3A_52 = arith.constant 0 : i32
      %dma_wait3A_53 = tpu.memref_slice %arg4[%multiple_of3A_12, %dma_wait3A_52] : memref<1024000x128xf32, #tpu.memory_space<hbm>> -> memref<256x128xf32, #tpu.memory_space<hbm>>
      tpu.wait_dma2 semaphore(%run_scoped3A : memref<!tpu.dma_semaphore, #tpu.memory_space<semaphore_mem>>) src(%arg8 : memref<256x128xf32, #tpu.memory_space<vmem>>) dst(%dma_wait3A_53 : memref<256x128xf32, #tpu.memory_space<hbm>>)
      tpu.yield
    }) : () -> ()
    %dma_start3A = arith.constant 0 : i32
    %dma_start3A_13 = arith.constant 0 : i32
    %dma_start3A_14 = tpu.memref_slice %arg7[%dma_start3A, %dma_start3A_13] : memref<256x128xf32, #tpu.memory_space<vmem>> -> memref<128x128xf32, #tpu.memory_space<vmem>>
    %dma_start3A_15 = arith.constant 0 : i32
    %dma_start3A_16 = tpu.memref_slice %arg5[%dma_start3A_15] : memref<256xi32, #tpu.memory_space<vmem>> -> memref<128xi32, #tpu.memory_space<vmem>>
    %dma_start3A_17 = arith.constant 0 : i32
    %dma_start3A_18 = arith.constant 0 : i32
    %dma_start3A_19 = tpu.memref_slice %arg3[%dma_start3A_17, %dma_start3A_18] : memref<16x128xf32, #tpu.memory_space<hbm>> -> memref<16x128xf32, #tpu.memory_space<hbm>>
    tpu.enqueue_indirect_dma source(%dma_start3A_19 : memref<16x128xf32, #tpu.memory_space<hbm>>) target(%dma_start3A_14 : memref<128x128xf32, #tpu.memory_space<vmem>>) offsets(%dma_start3A_16 : memref<128xi32, #tpu.memory_space<vmem>>) semaphore(%arg9 : memref<!tpu.dma_semaphore, #tpu.memory_space<semaphore_mem>>)
    %dma_start3A_20 = arith.constant 128 : i32
    %dma_start3A_21 = arith.constant 0 : i32
    %dma_start3A_22 = tpu.memref_slice %arg7[%dma_start3A_20, %dma_start3A_21] : memref<256x128xf32, #tpu.memory_space<vmem>> -> memref<128x128xf32, #tpu.memory_space<vmem>>
    %dma_start3A_23 = arith.constant 128 : i32
    %dma_start3A_24 = tpu.memref_slice %arg5[%dma_start3A_23] : memref<256xi32, #tpu.memory_space<vmem>> -> memref<128xi32, #tpu.memory_space<vmem>>
    %dma_start3A_25 = arith.constant 0 : i32
    %dma_start3A_26 = arith.constant 0 : i32
    %dma_start3A_27 = tpu.memref_slice %arg3[%dma_start3A_25, %dma_start3A_26] : memref<16x128xf32, #tpu.memory_space<hbm>> -> memref<16x128xf32, #tpu.memory_space<hbm>>
    tpu.enqueue_indirect_dma source(%dma_start3A_27 : memref<16x128xf32, #tpu.memory_space<hbm>>) target(%dma_start3A_22 : memref<128x128xf32, #tpu.memory_space<vmem>>) offsets(%dma_start3A_24 : memref<128xi32, #tpu.memory_space<vmem>>) semaphore(%arg9 : memref<!tpu.dma_semaphore, #tpu.memory_space<semaphore_mem>>)
    %dma_wait3A = arith.constant 0 : i32
    %dma_wait3A_28 = arith.constant 0 : i32
    %dma_wait3A_29 = tpu.memref_slice %arg7[%dma_wait3A, %dma_wait3A_28] : memref<256x128xf32, #tpu.memory_space<vmem>> -> memref<128x128xf32, #tpu.memory_space<vmem>>
    %dma_wait3A_30 = arith.constant 0 : i32
    %dma_wait3A_31 = tpu.memref_slice %arg5[%dma_wait3A_30] : memref<256xi32, #tpu.memory_space<vmem>> -> memref<128xi32, #tpu.memory_space<vmem>>
    %dma_wait3A_32 = arith.constant 0 : i32
    %dma_wait3A_33 = arith.constant 0 : i32
    %dma_wait3A_34 = tpu.memref_slice %arg3[%dma_wait3A_32, %dma_wait3A_33] : memref<16x128xf32, #tpu.memory_space<hbm>> -> memref<16x128xf32, #tpu.memory_space<hbm>>
    tpu.wait_indirect_dma semaphore(%arg9 : memref<!tpu.dma_semaphore, #tpu.memory_space<semaphore_mem>>) src(%dma_wait3A_34 : memref<16x128xf32, #tpu.memory_space<hbm>>) dst(%dma_wait3A_29 : memref<128x128xf32, #tpu.memory_space<vmem>>)
    %dma_wait3A_35 = arith.constant 128 : i32
    %dma_wait3A_36 = arith.constant 0 : i32
    %dma_wait3A_37 = tpu.memref_slice %arg7[%dma_wait3A_35, %dma_wait3A_36] : memref<256x128xf32, #tpu.memory_space<vmem>> -> memref<128x128xf32, #tpu.memory_space<vmem>>
    %dma_wait3A_38 = arith.constant 128 : i32
    %dma_wait3A_39 = tpu.memref_slice %arg5[%dma_wait3A_38] : memref<256xi32, #tpu.memory_space<vmem>> -> memref<128xi32, #tpu.memory_space<vmem>>
    %dma_wait3A_40 = arith.constant 0 : i32
    %dma_wait3A_41 = arith.constant 0 : i32
    %dma_wait3A_42 = tpu.memref_slice %arg3[%dma_wait3A_40, %dma_wait3A_41] : memref<16x128xf32, #tpu.memory_space<hbm>> -> memref<16x128xf32, #tpu.memory_space<hbm>>
    tpu.wait_indirect_dma semaphore(%arg9 : memref<!tpu.dma_semaphore, #tpu.memory_space<semaphore_mem>>) src(%dma_wait3A_42 : memref<16x128xf32, #tpu.memory_space<hbm>>) dst(%dma_wait3A_37 : memref<128x128xf32, #tpu.memory_space<vmem>>)
    %add3A_43 = arith.constant 31744 : i32
    %add3A_44 = arith.addi %mul3A_2, %add3A_43 : i32
    %multiple_of3A_45 = tpu.assume_multiple %add3A_44, 256 : i32
    "tpu.region"() ({
      %run_scoped3A = tpu.sem_alloc : memref<!tpu.dma_semaphore, #tpu.memory_space<semaphore_mem>>
      %dma_start3A_46 = arith.constant 0 : i32
      %dma_start3A_47 = tpu.memref_slice %arg4[%multiple_of3A_45, %dma_start3A_46] : memref<1024000x128xf32, #tpu.memory_space<hbm>> -> memref<256x128xf32, #tpu.memory_space<hbm>>
      %dma_start3A_48 = arith.constant 0 : i32
      %dma_start3A_49 = tpu.memref_slice %arg4[%multiple_of3A_45, %dma_start3A_48] : memref<1024000x128xf32, #tpu.memory_space<hbm>> -> memref<256x128xf32, #tpu.memory_space<hbm>>
      tpu.enqueue_dma source(%arg7 : memref<256x128xf32, #tpu.memory_space<vmem>>) target(%dma_start3A_49 : memref<256x128xf32, #tpu.memory_space<hbm>>) target_semaphore(%run_scoped3A : memref<!tpu.dma_semaphore, #tpu.memory_space<semaphore_mem>>)
      %dma_wait3A_50 = arith.constant 0 : i32
      %dma_wait3A_51 = tpu.memref_slice %arg4[%multiple_of3A_45, %dma_wait3A_50] : memref<1024000x128xf32, #tpu.memory_space<hbm>> -> memref<256x128xf32, #tpu.memory_space<hbm>>
      %dma_wait3A_52 = arith.constant 0 : i32
      %dma_wait3A_53 = tpu.memref_slice %arg4[%multiple_of3A_45, %dma_wait3A_52] : memref<1024000x128xf32, #tpu.memory_space<hbm>> -> memref<256x128xf32, #tpu.memory_space<hbm>>
      tpu.wait_dma2 semaphore(%run_scoped3A : memref<!tpu.dma_semaphore, #tpu.memory_space<semaphore_mem>>) src(%arg7 : memref<256x128xf32, #tpu.memory_space<vmem>>) dst(%dma_wait3A_53 : memref<256x128xf32, #tpu.memory_space<hbm>>)
      tpu.yield
    }) : () -> ()
    return
  }
}

</mosaic_0001>

<sc_bundles>
// kernel: kernel.3.cloned.1.call-start
scs
__scs_entry_jumppad:
0x0: {  	(pc) =	sbr.rel $0x88, $3  }
0x1: {  	(tag) =	ssettag $0x0;
	lr =	simm.s32 $0x1  }
0x2: {  	[smem:$0x3F9F] =	sst lr;
	_ =	strace $0xD0000000  }
0x3: {  	_ = 	snop  }
0x4: {  	_ = 	snop  }
0x5: {  	_ = 	snop  }
0x6: {  	_ = 	snop  }
0x7: {  	_ = 	snop  }
__scs_overlays_trampoline_lowered:
0x8: {  	[smem:$0x3FAE] =	sst s0  }
0x9: {  	[smem:$0x3FAF] =	sst s1  }
0xa: {  	[smem:$0x3FB0] =	sst s2  }
0xb: {  	[smem:$0x3FB1] =	sst s3  }
0xc: {  	[smem:$0x3FB2] =	sst s4  }
0xd: {  	[smem:$0x3FB3] =	sst s5  }
0xe: {  	[smem:$0x3FB4] =	sst s6  }
0xf: {  	[smem:$0x3FB5] =	sst s7  }
0x10: {  	[smem:$0x3FB6] =	sst s8  }
0x11: {  	[smem:$0x3FB7] =	sst s9;
	s0 =	simm.s32 @!p0 $0x0  }
0x12: {  	s1 =	sld [smem:$0x3F9D];
	s0 =	simm.s32 @p0 $0x1  }
0x13: {  	[smem:$0x3FB8] =	sst s0;
	s0 =	simm.s32 @!p1 $0x0  }
0x14: {  	s2 =	sld [smem:$0x3F9C];
	s0 =	simm.s32 @p1 $0x1  }
0x15: {  	[smem:$0x3FB9] =	sst s0;
	s0 =	simm.s32 @!p2 $0x0  }
0x16: {  	s3 =	sld [smem:$0x3FDB];
	s0 =	simm.s32 @p2 $0x1  }
0x17: {  	s4 =	simm.s32 $0x1BF5;
	[smem:$0x3FBB] =	sst s0  }
0x18: {  	s0 =	sld [smem:$0x3F9E];
	_ =	swait.ge [sflag:s4], $0x0  }
0x19: {  	s7 =	sld [smem:$0x3F9F]  }
0x1a: {  	s8 =	sadd.s32 $0xFFFFE003, lr  }
0x1b: {  	s9 =	sadd.s32 $0xFFFFFEF7, lr;
	s5 =	simm.s32 $0xFFFFFFFF;
	p2 =	slt.u32 s8, $0xFFFFF086  }
0x1c: {  	p1 =	slt.u32 s9, $0xF7A;
	s5 =	simm.s32 @!p2 $0x0  }
0x1d: {  	s5 =	simm.s32 @p1 $0x1;
	p0 =	seq.s32 s7, s2  }
0x1e: {  	s7 =	smul.u32 @!p0 $0xF7A, s2;
	p2 =	seq.s32 @!p0 s5, $0x0  }
0x1f: {  	s9 =	smul.u32 $0xF7A, s1;
	s8 =	simm.s32 @!p0 $0x1BF5;
	p2 =	por !p2, p0  }
0x20: {  	[sflag:s8] =	ssyncset.s32 @!p0 $0xFFFFF086;
	s6 =	sadd.s32 @!p0 s3, s7;
	s7 =	simm.s32 @!p0 $0x108  }
0x21: {  	s3 =	sadd.s32 s3, s9;
	s6 =	sadd.s32 @!p0 $0x88, s6;
	s7 =	simm.s32 @p2 $0x1082  }
0x22: {  	[simem:s7], [sflag:s8] =	dma.local @!p0 [hbm:s6], $0xF7A  }
0x23: {  	s9 =	sor.u32 $0xD0000000, s2;
	s6 =	simm.s32 $0x108;
	_ =	swait.ge @!p0 [sflag:s8], $0x0  }
0x24: {  	s3 =	sadd.s32 $0x88, s3;
	s6 =	simm.s32 @!p1 $0x1082;
	[sflag:s4] =	ssyncset.s32 $0xFFFFF086  }
0x25: {  	[simem:s6], [sflag:s4] =	dma.local [hbm:s3], $0xF7A  }
0x26: {  	[smem:$0x3F9F] =	sst s1;
	(tag) =	ssettag s2;
	_ =	strace s9  }
0x27: {  	s1 =	sld [smem:$0x3FAF]  }
0x28: {  	s2 =	sld [smem:$0x3FB0]  }
0x29: {  	s4 =	sld [smem:$0x3FB2]  }
0x2a: {  	p0 =	seq.s32 s5, $0x0;
	s5 =	sld [smem:$0x3FB3]  }
0x2b: {  	s6 =	sld [smem:$0x3FB4]  }
0x2c: {  	s7 =	sld [smem:$0x3FB5]  }
0x2d: {  	s3 =	simm.s32 $0x108;
	s8 =	sld [smem:$0x3FB6]  }
0x2e: {  	s3 =	simm.s32 @!p0 $0x1082;
	s9 =	sld [smem:$0x3FB7]  }
0x2f: {  	lr =	sadd.s32 s0, s3;
	s0 =	sld [smem:$0x3FAE]  }
0x30: {  	s3 =	sld [smem:$0x3FB1]  }
0x31: {  	[smem:$0x3FBA] =	sst s10  }
0x32: {  	s10 =	sld [smem:$0x3FB8];
	_ =	sdelay $0x3  }
0x33: {  	p0 =	seq.s32 s10, $0x1;
	s10 =	sld [smem:$0x3FBA];
	_ =	sdelay $0x3  }
0x34: {  	[smem:$0x3FBA] =	sst s10  }
0x35: {  	s10 =	sld [smem:$0x3FB9];
	_ =	sdelay $0x3  }
0x36: {  	p1 =	seq.s32 s10, $0x1;
	s10 =	sld [smem:$0x3FBA];
	_ =	sdelay $0x3  }
0x37: {  	[smem:$0x3FBA] =	sst s10  }
0x38: {  	s10 =	sld [smem:$0x3FBB]  }
0x39: {  	_ = 	snop;
	(pc) =	sbr.ind lr, $3  }
0x3a: {  	_ = 	snop  }
0x3b: {  	_ = 	snop  }
0x3c: {  	p2 =	seq.s32 s10, $0x1;
	s10 =	sld [smem:$0x3FBA]  }
0x3d: {  	_ =	shalt  }
0x3e: {  	_ =	shalt  }
0x3f: {  	_ =	shalt  }
0x40: {  	_ =	shalt  }
0x41: {  	_ =	shalt  }
0x42: {  	_ =	shalt  }
0x43: {  	_ =	shalt  }
0x44: {  	_ =	shalt  }
0x45: {  	_ =	shalt  }
0x46: {  	_ =	shalt  }
0x47: {  	_ =	shalt  }
0x48: {  	_ =	shalt  }
0x49: {  	_ =	shalt  }
0x4a: {  	_ =	shalt  }
0x4b: {  	_ =	shalt  }
0x4c: {  	_ =	shalt  }
0x4d: {  	_ =	shalt  }
0x4e: {  	_ =	shalt  }
0x4f: {  	_ =	shalt  }
0x50: {  	_ =	shalt  }
0x51: {  	_ =	shalt  }
0x52: {  	_ =	shalt  }
0x53: {  	_ =	shalt  }
0x54: {  	_ =	shalt  }
0x55: {  	_ =	shalt  }
0x56: {  	_ =	shalt  }
0x57: {  	_ =	shalt  }
0x58: {  	_ =	shalt  }
0x59: {  	_ =	shalt  }
0x5a: {  	_ =	shalt  }
0x5b: {  	_ =	shalt  }
0x5c: {  	_ =	shalt  }
0x5d: {  	_ =	shalt  }
0x5e: {  	_ =	shalt  }
0x5f: {  	_ =	shalt  }
0x60: {  	_ =	shalt  }
0x61: {  	_ =	shalt  }
0x62: {  	_ =	shalt  }
0x63: {  	_ =	shalt  }
0x64: {  	_ =	shalt  }
0x65: {  	_ =	shalt  }
0x66: {  	_ =	shalt  }
0x67: {  	_ =	shalt  }
0x68: {  	_ =	shalt  }
0x69: {  	_ =	shalt  }
0x6a: {  	_ =	shalt  }
0x6b: {  	_ =	shalt  }
0x6c: {  	_ =	shalt  }
0x6d: {  	_ =	shalt  }
0x6e: {  	_ =	shalt  }
0x6f: {  	_ =	shalt  }
0x70: {  	_ =	shalt  }
0x71: {  	_ =	shalt  }
0x72: {  	_ =	shalt  }
0x73: {  	_ =	shalt  }
0x74: {  	_ =	shalt  }
0x75: {  	_ =	shalt  }
0x76: {  	_ =	shalt  }
0x77: {  	_ =	shalt  }
0x78: {  	_ =	shalt  }
0x79: {  	_ =	shalt  }
0x7a: {  	_ =	shalt  }
0x7b: {  	_ =	shalt  }
0x7c: {  	_ =	shalt  }
0x7d: {  	_ =	shalt  }
0x7e: {  	_ =	shalt  }
0x7f: {  	_ =	shalt  }
0x80: {  	_ =	shalt  }
0x81: {  	_ =	shalt  }
0x82: {  	_ =	shalt  }
0x83: {  	_ =	shalt  }
0x84: {  	_ =	shalt  }
0x85: {  	_ =	shalt  }
0x86: {  	_ =	shalt  }
0x87: {  	_ =	shalt  }
.Lfunc_end0:
.L_simem_size_0:
called_computation.1_lowered:
.L_overlay_start_0:
0x88: {  	s2 =	sld [smem:$0x3FD9]  }
0x89: {  	s3 =	sld [smem:$0x3FFE];
	_ =	sdelay $0x1  }
0x8a: {  	s1 =	srdreg.scid  }
0x8b: {  	s0 =	sand.u32 $0x1, s1  }
0x8c: {  	s17 =	sshll.u32 s0, $0xA;
	s2 =	sadd.s32 s3, s2  }
0x8d: {  	s2 =	sadd.s32 s2, s17  }
0x8e: {  	[smem:$0x3FC6] =	sst s2  }
0x8f: {  	_ = 	snop  }
0x90: {  	s2 =	sld [smem:$0x3FD0];
	(tm) =	ssettm $0x1  }
0x91: {  	s18 =	sld [smem:$0x3FFB];
	_ =	sdelay $0x3  }
0x92: {  	_ =	strace s18  }
0x93: {  	s3 =	sld [smem:$0x3FFC];
	_ =	sdelay $0x3  }
0x94: {  	_ =	strace s3  }
0x95: {  	s3 =	sld [smem:$0x3FFD];
	_ =	sdelay $0x3  }
0x96: {  	_ =	strace s3  }
0x97: {  	_ =	strace $0x8FFFFFFF  }
0x98: {  	s19 =	sld [smem:$0x3FDB];
	_ =	sdelay $0x1  }
0x99: {  	s4 =	simm.s32 $_scs_section_size  }
0x9a: {  	s5 =	simm.s32 $_size__tile_overlayer_lowered;
	s6 =	simm.s32 $_tile_overlayer_lowered  }
0x9b: {  	s22 =	simm.s32 $0x1BFF;
	s21 =	sshll.u32 s6, $0x1;
	s3 =	sadd.s32 s4, s19  }
0x9c: {  	s7 =	simm.s32 $0x0;
	s20 =	sshll.u32 s5, $0x1;
	s5 =	sadd.s32 s21, s3  }
0x9d: {  	[timem:s7], [sflag:s22] =	dma.local [hbm:s5], s20  }
0x9e: {  	_ =	swait.ge [sflag:s22], s20  }
0x9f: {  	s4 =	ssub.s32 $0x0, s20;
	[sflag:s22] =	ssyncset.done $0x0  }
0xa0: {  	[sflag:s22] =	ssyncadd.s32 s4;
	_ =	sdelay $0x1  }
0xa1: {  	s23 =	simm.s32 $0x1B8B  }
0xa2: {  	_ =	swait.ge [sflag:s23], $0x1  }
0xa3: {  	[sflag:s23] =	ssyncset.done $0x0  }
0xa4: {  	s25 =	simm.s32 $0x1B8E;
	s24 =	sld [smem:$0x3FFE];
	[sflag:s23] =	ssyncadd.s32 $0xFFFFFFFF  }
0xa5: {  	s26 =	simm.s32 $execute0_lowered;
	[smem:$0x3FD2] =	sst s25  }
0xa6: {  	s5 =	sshll.u32 s26, $0x1;
	_ =	strace $0x80000046;
	[dreg:$0x1] =	wrdreg $0xFFFFFFFF  }
0xa7: {  	s28 =	simm.s32 $_size_execute0_lowered;
	s3 =	sadd.s32 s3, s5;
	[dreg:$0x0] =	wrdreg $0x0  }
0xa8: {  	s5 =	sshll.u32 s28, $0x1;
	[dreg:$0x2] =	wrdreg s3  }
0xa9: {  	[dreg:$0x3] =	wrdreg s5  }
0xaa: {  	[dreg:$0x4] =	wrdreg $0xC0  }
0xab: {  	_ =	task [dreg:s7], $0x5FFFF  }
0xac: {  	[dreg:$0x1] =	wrdreg $0xFFFFFFFF  }
0xad: {  	[dreg:$0x0] =	wrdreg $0x60  }
0xae: {  	[dreg:$0x2] =	wrdreg s24  }
0xaf: {  	[dreg:$0x3] =	wrdreg s2  }
0xb0: {  	[dreg:$0x4] =	wrdreg $0x9  }
0xb1: {  	_ =	task.clear_ibuf [dreg:s7], $0x5FFFF;
	_ =	strace $0x90000046  }
0xb2: {  	s29 =	simm.s32 $0x9;
	_ =	strace $0x80000048  }
0xb3: {  	_ =	swait.ge [sflag:s29], $0x1  }
0xb4: {  	[sflag:s29] =	ssyncadd.s32 $0xFFFFFFFF  }
0xb5: {  	_ =	strace $0x90000048  }
0xb6: {  	_ =	sfence  }
0xb7: {  	s30 =	sld [smem:$0x0];
	_ =	sdelay $0x2  }
0xb8: {  	s31 =	sshll.u32 s1, $0xD;
	s1 =	sshrl.u32 s1, $0x2  }
0xb9: {  	s3 =	sand.u32 $0x4000, s31;
	s1 =	sadd.s32 s1, s30  }
0xba: {  	s0 =	sor.u32 s3, s0;
	s1 =	sshll.u32 s1, $0x11  }
0xbb: {  	s0 =	sor.u32 s1, s0  }
0xbc: {  	s0 =	sadd.s32 $0x8F2B, s0  }
0xbd: {  	[sflag:s0] =	ssyncadd.remote.s32 $0x1  }
0xbe: {  	_ =	sfence.sel $0xFFFF  }
0xbf: {  	[dreg:$0x0] =	wrdreg $0xFFFFFFFF;
	(pc) =	sbr.abs _section_cstart, $3  }
0xc0: {  	[dreg:$0x1] =	wrdreg $0xFFFFFFFF  }
0xc1: {  	_ =	task.clear_ibuf [dreg:s7], $0x2FFFF;
	_ =	strace $0x9FFFFFFF  }
0xc2: {  	(tm) =	ssettm $0x7FFFFFFF  }
0xc3: {  	_ =	shalt  }
tec
execute0_lowered:
.L_overlay_start_1:
0x0: {  	(tag) =	ssettag $0x1  }
0x1: {  	s4 =	rddreg [dreg:$0x0]  }
0x2: {  	s2 =	rddreg [dreg:$0x1]  }
0x3: {  	s0 =	rddreg [dreg:$0x2];
	s5 =	srdreg.scid  }
0x4: {  	s1 =	stileid.u32;
	s3 =	simm.s32 $0x0;
	s19 =	simm.s32 $0x4200  }
0x5: {  	s20 =	simm.s32 $0x100;
	s21 =	simm.s32 $0x1;
	s12 =	smul.u32 $0x7D0000, s1  }
0x6: {  	s22 =	simm.s32 $0x8200;
	s23 =	simm.s32 $0x180;
	s16 =	smul.u32 $0xFA00, s1  }
0x7: {  	s24 =	simm.s32 $0xC200;
	s13 =	sand.u32 $0x1, s5;
	s30 =	smul.u32 $0xFA000, s1  }
0x8: {  	s25 =	sshll.u32 s1, $0x1;
	[smem:$0x7FF] =	sst s3;
	s15 =	smul.u32 $0x3E8000, s13  }
0x9: {  	s14 =	sadd.s32 $0xC00, s4;
	s4 =	sadd.s32 $0xA00, s4;
	s17 =	smul.u32 $0x7D00, s13  }
0xa: {  	s5 =	sor.u32 s13, s25;
	s6 =	ssub.s32 $0x2, s13;
	s18 =	smul.u32 $0x7D000, s13  }
0xb: {  	_ =	strace $0x80000047;
	s7 =	smul.u32 $0x7D00, s5;
	s8 =	sshrl.u32 s6, $0x1  }
0xc: {  	s25 =	simm.s32 $0x0;
	s5 =	smul.u32 $0x3E8000, s5;
	s9 =	ssub.s32 s6, s8  }
0xd: {  	s12 =	sadd.s32 s15, s12;
	s29 =	sadd.s32 s17, s16;
	s16 =	sadd.s32 s30, s2  }
0xe: {  	s26 =	sshrl.u32 s7, $0x3;
	s28 =	sshrl.u32 s5, $0x3;
	s9 =	smax.u32 s9, $0x1  }
0xf: {  	s12 =	sadd.s32 $0x10000, s12;
	s17 =	sadd.s32 $0x400, s29;
	s15 =	sadd.s32 $0x300, s29  }
0x10: {  	s16 =	sadd.s32 s18, s16;
	s18 =	simm.s32 $0x200;
	s5 =	sadd.s32 s14, s26  }
0x11: {  	s6 =	sadd.s32 s2, s28;
	s31 =	sshrl.u32 s17, $0x3;
	s15 =	sshrl.u32 s15, $0x3  }
0x12: {  	s17 =	simm.s32 $0x80;
	s7 =	sadd.s32 $0x7B000, s6;
	s8 =	sadd.s32 $0x7C000, s6  }
0x13: {  	s10 =	sadd.s32 $0x20, s5;
	s11 =	sadd.s32 $0x40, s5;
	s13 =	sadd.s32 s31, s14  }
0x14: {  	s14 =	sadd.s32 s15, s14;
	s15 =	sadd.s32 $0x1000, s16;
	s16 =	simm.s32 $0x2  }
.LBB2_1:
0x15: {  	[tilespmem:s3], [sflag:$0x2] =	stream.linear.gather [hbm4b:s5+s3], $0x100, $0x38;
	[tilespmem:$0x10200] =	vst v63  }
0x16: {  	_ =	swait.ge [sflag:s16], $0x100  }
0x17: {  	[sflag:s16] =	ssyncset.done $0x0  }
0x18: {  	[sflag:s16] =	ssyncadd.s32 $0xFFFFFF00  }
0x19: {  	[tilespmem:s18], [sflag:$0x1] =	stream.indirect.gather [hbm4b:s4+s17], $0x80, s3, s17, $0xb8;
	[tilespmem:$0x10200] =	vst v63  }
0x1a: {  	_ = 	snop  }
0x1b: {  	[tilespmem:s19], [sflag:$0x1] =	stream.indirect.gather [hbm4b:s4+s17], $0x80, s17, s17, $0xb8;
	[tilespmem:$0x10200] =	vst v63  }
0x1c: {  	_ = 	snop  }
0x1d: {  	[tilespmem:s20], [sflag:$0x2] =	stream.linear.gather [hbm4b:s10+s3], $0x100, $0x38;
	[tilespmem:$0x10200] =	vst v63  }
0x1e: {  	_ =	swait.ge [sflag:s16], $0x100  }
0x1f: {  	[sflag:s16] =	ssyncset.done $0x0  }
0x20: {  	[sflag:s16] =	ssyncadd.s32 $0xFFFFFF00  }
0x21: {  	_ =	swait.ge [sflag:s21], $0x4000  }
0x22: {  	[sflag:s21] =	ssyncset.done $0x0  }
0x23: {  	[sflag:s21] =	ssyncadd.s32 $0xFFFFC000  }
0x24: {  	_ =	swait.ge [sflag:s21], $0x4000  }
0x25: {  	[sflag:s21] =	ssyncset.done $0x0  }
0x26: {  	[sflag:s21] =	ssyncadd.s32 $0xFFFFC000  }
0x27: {  	[tilespmem:s22], [sflag:$0x1] =	stream.indirect.gather [hbm4b:s4+s17], $0x80, s20, s17, $0xb8;
	[tilespmem:$0x10200] =	vst v63  }
0x28: {  	_ = 	snop  }
0x29: {  	[tilespmem:s24], [sflag:$0x1] =	stream.indirect.gather [hbm4b:s4+s17], $0x80, s23, s17, $0xb8;
	[tilespmem:$0x10200] =	vst v63  }
0x2a: {  	_ = 	snop  }
0x2b: {  	[hbm4b:s6+s3] =	stream.linear.scatter [tilespmem:s18], [sflag:$0x2], $0x8000, $0x38;
	[tilespmem:$0x10200] =	vst v63  }
0x2c: {  	_ =	swait.ge [sflag:s16], $0x8000  }
0x2d: {  	[sflag:s16] =	ssyncset.done $0x0  }
0x2e: {  	[sflag:s16] =	ssyncadd.s32 $0xFFFF8000  }
0x2f: {  	[tilespmem:s3], [sflag:$0x2] =	stream.linear.gather [hbm4b:s11+s3], $0x100, $0x38;
	[tilespmem:$0x10200] =	vst v63  }
0x30: {  	_ =	swait.ge [sflag:s16], $0x100  }
0x31: {  	[sflag:s16] =	ssyncset.done $0x0  }
0x32: {  	[sflag:s16] =	ssyncadd.s32 $0xFFFFFF00  }
0x33: {  	_ =	swait.ge [sflag:s21], $0x4000  }
0x34: {  	[sflag:s21] =	ssyncset.done $0x0  }
0x35: {  	[sflag:s21] =	ssyncadd.s32 $0xFFFFC000  }
0x36: {  	_ =	swait.ge [sflag:s21], $0x4000  }
0x37: {  	[sflag:s21] =	ssyncset.done $0x0  }
0x38: {  	[sflag:s21] =	ssyncadd.s32 $0xFFFFC000  }
0x39: {  	[tilespmem:s18], [sflag:$0x1] =	stream.indirect.gather [hbm4b:s4+s17], $0x80, s3, s17, $0xb8;
	[tilespmem:$0x10200] =	vst v63  }
0x3a: {  	_ = 	snop  }
0x3b: {  	[tilespmem:s19], [sflag:$0x1] =	stream.indirect.gather [hbm4b:s4+s17], $0x80, s17, s17, $0xb8;
	[tilespmem:$0x10200] =	vst v63  }
0x3c: {  	_ = 	snop  }
0x3d: {  	[hbm4b:s15+s3] =	stream.linear.scatter [tilespmem:s22], [sflag:$0x2], $0x8000, $0x38;
	[tilespmem:$0x10200] =	vst v63  }
0x3e: {  	_ =	swait.ge [sflag:s16], $0x8000  }
0x3f: {  	[sflag:s16] =	ssyncset.done $0x0  }
0x40: {  	s26 =	sadd.s32 $0x0, s14;
	[sflag:s16] =	ssyncadd.s32 $0xFFFF8000  }
0x41: {  	[tilespmem:s20], [sflag:$0x2] =	stream.linear.gather [hbm4b:s26+s3], $0x100, $0x38;
	[tilespmem:$0x10200] =	vst v63  }
0x42: {  	_ =	swait.ge [sflag:s16], $0x100  }
0x43: {  	[sflag:s16] =	ssyncset.done $0x0  }
0x44: {  	[sflag:s16] =	ssyncadd.s32 $0xFFFFFF00  }
0x45: {  	_ =	swait.ge [sflag:s21], $0x4000  }
0x46: {  	[sflag:s21] =	ssyncset.done $0x0  }
0x47: {  	[sflag:s21] =	ssyncadd.s32 $0xFFFFC000  }
0x48: {  	_ =	swait.ge [sflag:s21], $0x4000  }
0x49: {  	[sflag:s21] =	ssyncset.done $0x0  }
0x4a: {  	[sflag:s21] =	ssyncadd.s32 $0xFFFFC000  }
0x4b: {  	[tilespmem:s22], [sflag:$0x1] =	stream.indirect.gather [hbm4b:s4+s17], $0x80, s20, s17, $0xb8;
	[tilespmem:$0x10200] =	vst v63  }
0x4c: {  	s30 =	sshrl.u32 s12, $0x3  }
0x4d: {  	[tilespmem:s24], [sflag:$0x1] =	stream.indirect.gather [hbm4b:s4+s17], $0x80, s23, s17, $0xb8;
	[tilespmem:$0x10200] =	vst v63  }
0x4e: {  	s26 =	sadd.s32 s2, s30  }
0x4f: {  	[hbm4b:s26+s3] =	stream.linear.scatter [tilespmem:s18], [sflag:$0x2], $0x8000, $0x38;
	[tilespmem:$0x10200] =	vst v63  }
0x50: {  	_ =	swait.ge [sflag:s16], $0x8000  }
0x51: {  	[sflag:s16] =	ssyncset.done $0x0  }
0x52: {  	s31 =	sadd.s32 $0x0, s13;
	[sflag:s16] =	ssyncadd.s32 $0xFFFF8000  }
0x53: {  	[tilespmem:s3], [sflag:$0x2] =	stream.linear.gather [hbm4b:s31+s3], $0x100, $0x38;
	[tilespmem:$0x10200] =	vst v63  }
0x54: {  	_ =	swait.ge [sflag:s16], $0x100  }
0x55: {  	[sflag:s16] =	ssyncset.done $0x0  }
0x56: {  	[sflag:s16] =	ssyncadd.s32 $0xFFFFFF00  }
0x57: {  	_ =	swait.ge [sflag:s21], $0x4000  }
0x58: {  	[sflag:s21] =	ssyncset.done $0x0  }
0x59: {  	[sflag:s21] =	ssyncadd.s32 $0xFFFFC000  }
0x5a: {  	s28 =	smov.u32 s12;
	_ =	swait.ge [sflag:s21], $0x4000  }
0x5b: {  	s29 =	smov.u32 s15;
	s26 =	simm.s32 $0x40;
	[sflag:s21] =	ssyncset.done $0x0  }
.LBB2_2:
0x5c: {  	[sflag:s21] =	ssyncadd.s32 $0xFFFFC000;
	s28 =	sadd.s32 $0x10000, s28;
	s29 =	sadd.s32 $0x2000, s29  }
0x5d: {  	[tilespmem:s18], [sflag:$0x1] =	stream.indirect.gather [hbm4b:s4+s17], $0x80, s3, s17, $0xb8;
	[tilespmem:$0x10200] =	vst v63  }
0x5e: {  	p0 =	sne.s32 s26, $0xF00;
	s30 =	smov.u32 s26;
	s26 =	sadd.s32 $0x40, s26  }
0x5f: {  	[tilespmem:s19], [sflag:$0x1] =	stream.indirect.gather [hbm4b:s4+s17], $0x80, s17, s17, $0xb8;
	[tilespmem:$0x10200] =	vst v63  }
0x60: {  	_ = 	snop  }
0x61: {  	[hbm4b:s29+s3] =	stream.linear.scatter [tilespmem:s22], [sflag:$0x2], $0x8000, $0x38;
	[tilespmem:$0x10200] =	vst v63  }
0x62: {  	_ =	swait.ge [sflag:s16], $0x8000  }
0x63: {  	[sflag:s16] =	ssyncset.done $0x0  }
0x64: {  	s31 =	sadd.s32 s30, s14;
	[sflag:s16] =	ssyncadd.s32 $0xFFFF8000  }
0x65: {  	[tilespmem:s20], [sflag:$0x2] =	stream.linear.gather [hbm4b:s31+s3], $0x100, $0x38;
	[tilespmem:$0x10200] =	vst v63  }
0x66: {  	_ =	swait.ge [sflag:s16], $0x100  }
0x67: {  	[sflag:s16] =	ssyncset.done $0x0  }
0x68: {  	[sflag:s16] =	ssyncadd.s32 $0xFFFFFF00  }
0x69: {  	_ =	swait.ge [sflag:s21], $0x4000  }
0x6a: {  	[sflag:s21] =	ssyncset.done $0x0  }
0x6b: {  	[sflag:s21] =	ssyncadd.s32 $0xFFFFC000  }
0x6c: {  	_ =	swait.ge [sflag:s21], $0x4000  }
0x6d: {  	[sflag:s21] =	ssyncset.done $0x0  }
0x6e: {  	[sflag:s21] =	ssyncadd.s32 $0xFFFFC000  }
0x6f: {  	[tilespmem:s22], [sflag:$0x1] =	stream.indirect.gather [hbm4b:s4+s17], $0x80, s20, s17, $0xb8;
	[tilespmem:$0x10200] =	vst v63  }
0x70: {  	s31 =	sshrl.u32 s28, $0x3  }
0x71: {  	[tilespmem:s24], [sflag:$0x1] =	stream.indirect.gather [hbm4b:s4+s17], $0x80, s23, s17, $0xb8;
	[tilespmem:$0x10200] =	vst v63  }
0x72: {  	s31 =	sadd.s32 s2, s31  }
0x73: {  	[hbm4b:s31+s3] =	stream.linear.scatter [tilespmem:s18], [sflag:$0x2], $0x8000, $0x38;
	[tilespmem:$0x10200] =	vst v63  }
0x74: {  	_ =	swait.ge [sflag:s16], $0x8000  }
0x75: {  	[sflag:s16] =	ssyncset.done $0x0  }
0x76: {  	s30 =	sadd.s32 s30, s13;
	[sflag:s16] =	ssyncadd.s32 $0xFFFF8000  }
0x77: {  	[tilespmem:s3], [sflag:$0x2] =	stream.linear.gather [hbm4b:s30+s3], $0x100, $0x38;
	[tilespmem:$0x10200] =	vst v63  }
0x78: {  	_ =	swait.ge [sflag:s16], $0x100  }
0x79: {  	[sflag:s16] =	ssyncset.done $0x0  }
0x7a: {  	[sflag:s16] =	ssyncadd.s32 $0xFFFFFF00  }
.Ltmp0:
0x7b: {  	_ =	swait.ge [sflag:s21], $0x4000;
	(pc) =	sbr.rel @p0 .LBB2_2-.Ltmp0, $4  }
0x7c: {  	[sflag:s21] =	ssyncset.done $0x0  }
0x7d: {  	[sflag:s21] =	ssyncadd.s32 $0xFFFFC000  }
0x7e: {  	_ =	swait.ge [sflag:s21], $0x4000  }
0x7f: {  	[sflag:s21] =	ssyncset.done $0x0  }
0x80: {  	[sflag:s21] =	ssyncadd.s32 $0xFFFFC000  }
0x81: {  	[hbm4b:s7+s3] =	stream.linear.scatter [tilespmem:s22], [sflag:$0x2], $0x8000, $0x38;
	[tilespmem:$0x10200] =	vst v63  }
0x82: {  	_ =	swait.ge [sflag:s16], $0x8000  }
0x83: {  	[sflag:s16] =	ssyncset.done $0x0  }
0x84: {  	[sflag:s16] =	ssyncadd.s32 $0xFFFF8000  }
0x85: {  	[tilespmem:s18], [sflag:$0x1] =	stream.indirect.gather [hbm4b:s4+s17], $0x80, s3, s17, $0xb8;
	[tilespmem:$0x10200] =	vst v63  }
0x86: {  	_ = 	snop  }
0x87: {  	[tilespmem:s19], [sflag:$0x1] =	stream.indirect.gather [hbm4b:s4+s17], $0x80, s17, s17, $0xb8;
	[tilespmem:$0x10200] =	vst v63  }
0x88: {  	_ =	swait.ge [sflag:s21], $0x4000  }
0x89: {  	[sflag:s21] =	ssyncset.done $0x0  }
0x8a: {  	[sflag:s21] =	ssyncadd.s32 $0xFFFFC000  }
0x8b: {  	s25 =	sadd.s32 $0x1, s25;
	_ =	swait.ge [sflag:s21], $0x4000  }
0x8c: {  	p0 =	sne.s32 s25, s9;
	[sflag:s21] =	ssyncset.done $0x0  }
.Ltmp1:
0x8d: {  	[sflag:s21] =	ssyncadd.s32 $0xFFFFC000;
	(pc) =	sbr.rel @p0 .LBB2_1-.Ltmp1, $4  }
0x8e: {  	[hbm4b:s8+s3] =	stream.linear.scatter [tilespmem:s18], [sflag:$0x2], $0x8000, $0x38;
	[tilespmem:$0x10200] =	vst v63  }
0x8f: {  	_ =	swait.ge [sflag:s16], $0x8000  }
0x90: {  	[sflag:s16] =	ssyncset.done $0x0  }
0x91: {  	[sflag:s16] =	ssyncadd.s32 $0xFFFF8000  }
0x92: {  	_ =	sfence.sel $0x180000  }
0x93: {  	[bflag:$0x0] =	sbarrier.arrive $0xFFFF  }
0x94: {  	p0 =	sne.s32 s1, $0x0;
	_ =	strace $0x90000047  }
0x95: {  	s0 =	sadd.s32 @!p0 $0x100000, s0;
	[bflag:$0x2] =	sbarrier.arrive $0xFFFF  }
0x96: {  	[sflag:s0] =	ssyncadd.tile.s32 @!p0 $0x1;
	_ =	shalt  }
.Lfunc_end2:
_tile_overlayer_lowered:
.L_overlay_start_2:
0x97: {  	(tag) =	ssettag $0x2  }
0x98: {  	s0 =	rddreg [dreg:$0x0];
	s2 =	stileid.u32  }
0x99: {  	s1 =	rddreg [dreg:$0x1];
	p0 =	sne.s32 s2, $0x0  }
0x9a: {  	s3 =	rddreg [dreg:$0x2];
	[bflag:$0x3] =	sbarrier.arrive $0xFFFF;
	s2 =	simm.s32 @!p0 $0x1C02  }
0x9b: {  	[timem:s3], [sflag:s2] =	dma.local @!p0 [hbm:s0], s1  }
0x9c: {  	s0 =	simm.s32 @!p0 $0x2  }
0x9d: {  	_ =	swait.ge @!p0 [sflag:s0], s1  }
0x9e: {  	s1 =	ssub.s32 @!p0 $0x0, s1;
	[sflag:s0] =	ssyncset.done @!p0 $0x0  }
0x9f: {  	[sflag:s0] =	ssyncadd.s32 @!p0 s1  }
0xa0: {  	[bflag:$0x3] =	sbarrier.arrive $0xFFFF  }
0xa1: {  	_ =	shalt  }

// kernel: sparse-core-data-format-call.cloned.1.call-start
scs
called_computation_lowered:
.L_overlay_start_0:
0x0: {  	s2 =	sld [smem:$0x3FD9]  }
0x1: {  	s3 =	sld [smem:$0x3FFE];
	_ =	sdelay $0x1  }
0x2: {  	s1 =	srdreg.scid  }
0x3: {  	s0 =	sand.u32 $0x1, s1  }
0x4: {  	s18 =	sshll.u32 s0, $0xA;
	s2 =	sadd.s32 s3, s2  }
0x5: {  	s2 =	sadd.s32 s2, s18  }
0x6: {  	[smem:$0x3FC6] =	sst s2  }
0x7: {  	_ = 	snop  }
0x8: {  	s2 =	sld [smem:$0x3FD0];
	(tm) =	ssettm $0x1  }
0x9: {  	s19 =	sld [smem:$0x3FFB];
	_ =	sdelay $0x3  }
0xa: {  	_ =	strace s19  }
0xb: {  	s3 =	sld [smem:$0x3FFC];
	_ =	sdelay $0x3  }
0xc: {  	_ =	strace s3  }
0xd: {  	s3 =	sld [smem:$0x3FFD];
	_ =	sdelay $0x3  }
0xe: {  	_ =	strace s3  }
0xf: {  	_ =	strace $0x8FFFFFFF  }
0x10: {  	s20 =	sld [smem:$0x3FDB];
	_ =	sdelay $0x1  }
0x11: {  	s4 =	simm.s32 $_scs_section_size  }
0x12: {  	s5 =	simm.s32 $_size__tile_overlayer_lowered;
	s6 =	simm.s32 $_tile_overlayer_lowered  }
0x13: {  	s23 =	simm.s32 $0x1BFF;
	s22 =	sshll.u32 s6, $0x1;
	s3 =	sadd.s32 s4, s20  }
0x14: {  	s7 =	simm.s32 $0x0;
	s21 =	sshll.u32 s5, $0x1;
	s5 =	sadd.s32 s22, s3  }
0x15: {  	[timem:s7], [sflag:s23] =	dma.local [hbm:s5], s21  }
0x16: {  	_ =	swait.ge [sflag:s23], s21  }
0x17: {  	s4 =	ssub.s32 $0x0, s21;
	[sflag:s23] =	ssyncset.done $0x0  }
0x18: {  	[sflag:s23] =	ssyncadd.s32 s4;
	_ =	sdelay $0x1  }
0x19: {  	s24 =	simm.s32 $0x1B8B  }
0x1a: {  	_ =	swait.ge [sflag:s24], $0x1  }
0x1b: {  	[sflag:s24] =	ssyncset.done $0x0  }
0x1c: {  	s26 =	simm.s32 $0x1B8E;
	s25 =	sld [smem:$0x3FFE];
	[sflag:s24] =	ssyncadd.s32 $0xFFFFFFFF  }
0x1d: {  	s27 =	simm.s32 $execute0_lowered;
	[smem:$0x3FD2] =	sst s26  }
0x1e: {  	s5 =	sshll.u32 s27, $0x1;
	_ =	strace $0x80000049;
	[dreg:$0x1] =	wrdreg $0xFFFFFFFF  }
0x1f: {  	s28 =	simm.s32 $_size_execute0_lowered;
	s3 =	sadd.s32 s3, s5;
	[dreg:$0x0] =	wrdreg $0x0  }
0x20: {  	s5 =	sshll.u32 s28, $0x1;
	[dreg:$0x2] =	wrdreg s3  }
0x21: {  	[dreg:$0x3] =	wrdreg s5  }
0x22: {  	[dreg:$0x4] =	wrdreg $0xC0  }
0x23: {  	_ =	task [dreg:s7], $0x5FFFF  }
0x24: {  	[dreg:$0x1] =	wrdreg $0xFFFFFFFF  }
0x25: {  	[dreg:$0x0] =	wrdreg $0x60  }
0x26: {  	[dreg:$0x2] =	wrdreg s25  }
0x27: {  	[dreg:$0x3] =	wrdreg s2  }
0x28: {  	[dreg:$0x4] =	wrdreg $0x9  }
0x29: {  	_ =	task.clear_ibuf [dreg:s7], $0x5FFFF;
	_ =	strace $0x90000049  }
0x2a: {  	s29 =	simm.s32 $0x9;
	_ =	strace $0x8000004B  }
0x2b: {  	_ =	swait.ge [sflag:s29], $0x1  }
0x2c: {  	[sflag:s29] =	ssyncadd.s32 $0xFFFFFFFF  }
0x2d: {  	_ =	strace $0x9000004B  }
0x2e: {  	_ =	sfence  }
0x2f: {  	s30 =	sld [smem:$0x0];
	_ =	sdelay $0x2  }
0x30: {  	s31 =	sshll.u32 s1, $0xD;
	s1 =	sshrl.u32 s1, $0x2  }
0x31: {  	s3 =	sand.u32 $0x4000, s31;
	s1 =	sadd.s32 s1, s30  }
0x32: {  	s0 =	sor.u32 s3, s0;
	s1 =	sshll.u32 s1, $0x11  }
0x33: {  	s0 =	sor.u32 s1, s0  }
0x34: {  	s0 =	sadd.s32 $0x8F2B, s0  }
0x35: {  	[sflag:s0] =	ssyncadd.remote.s32 $0x1  }
0x36: {  	_ =	sfence.sel $0xFFFF  }
0x37: {  	[dreg:$0x0] =	wrdreg $0xFFFFFFFF;
	(pc) =	sbr.abs _section_cstart, $3  }
0x38: {  	[dreg:$0x1] =	wrdreg $0xFFFFFFFF  }
0x39: {  	_ =	task.clear_ibuf [dreg:s7], $0x2FFFF;
	_ =	strace $0x9FFFFFFF  }
0x3a: {  	(tm) =	ssettm $0x7FFFFFFF  }
0x3b: {  	_ =	shalt  }
tec
execute0_lowered:
.L_overlay_start_1:
0x0: {  	(tag) =	ssettag $0x1  }
0x1: {  	s0 =	srdreg.scid  }
0x2: {  	s1 =	sshll.u32 s0, $0x4  }
0x3: {  	s6 =	rddreg [dreg:$0x0];
	s0 =	stileid.u32;
	s1 =	sand.u32 $0x10, s1  }
0x4: {  	s3 =	rddreg [dreg:$0x1];
	s1 =	sor.u32 s0, s1  }
0x5: {  	s5 =	simm.s32 $0x1;
	s31 =	simm.s32 $0x2;
	s2 =	sshll.u32 s1, $0x7  }
0x6: {  	s13 =	simm.s32 $0x0;
	s8 =	simm.s32 $0x8000;
	s4 =	ssub.s32 $0x1000, s2  }
0x7: {  	s15 =	simm.s32 $0x0;
	s14 =	simm.s32 $0x0;
	s30 =	sand.u32 $0xF80, s4  }
0x8: {  	s9 =	simm.s32 $0x0;
	s10 =	simm.s32 $0x0;
	p0 =	sne.s32 s30, $0x0  }
.Ltmp0:
0x9: {  	s7 =	sshrl.u32 s4, $0xC;
	s5 =	simm.s32 @!p0 $0x0;
	(pc) =	sbr.rel .LBB1_1-.Ltmp0, $4  }
0xa: {  	s12 =	simm.s32 $0x0;
	s1 =	rddreg [dreg:$0x2];
	s5 =	sadd.s32 s5, s7  }
0xb: {  	_ =	strace $0x8000004A;
	s4 =	simm.s32 $0x1;
	s5 =	smul.u32 $0x3E8, s5  }
0xc: {  	s6 =	sadd.s32 $0xA00, s6;
	s11 =	smov.u32 s2;
	[sflag:s4] =	ssyncpa.u1 $0x0  }
0xd: {  	[sflag:s31] =	ssyncpa.u1 $0x0;
	p0 =	por $0x0, $0x0;
	s7 =	sor.u32 $0x1, s5  }
.LBB1_4:
0xe: {  	s18 =	sand.u32 $0x78, s14  }
0xf: {  	s19 =	sshll.u32 s14, $0x3;
	s15 =	smul.u32 $0x50000, s15;
	s20 =	sand.u32 $0x3E00, s14  }
0x10: {  	s13 =	sshll.u32 s13, $0xE;
	s19 =	sand.u32 $0xC00, s19;
	s30 =	sadd.s32 s3, s20  }
0x11: {  	s31 =	sand.u32 $0x7, s14;
	s18 =	sor.u32 s18, s19;
	s15 =	sadd.s32 s15, s30  }
0x12: {  	s14 =	sshll.u32 s31, $0x12;
	s18 =	sshrl.u32 s18, $0x3;
	s13 =	sadd.s32 s13, s15  }
0x13: {  	[tilespmem:s17+$0x0 ss:$0x81] =	vst.msk $0xffff, v0;
	s14 =	sor.u32 $0x400, s14;
	s13 =	sadd.s32 s18, s13  }
0x14: {  	[hbm4b:s13+s14] =	stream.strided.scatter [tilespmem:s16], [sflag:$0x2], $0x1000, s8, s14, $0x20;
	[tilespmem:$0x4040] =	vst v63  }
.LBB1_5:
0x15: {  	s16 =	sadd.s32 $0x1, s9  }
0x16: {  	s13 =	simm.s32 $0x1;
	p2 =	sgt.s32 s16, $0x13  }
0x17: {  	s13 =	simm.s32 @!p2 $0x0  }
0x18: {  	s17 =	sadd.s32 s13, s10  }
0x19: {  	s19 =	smov.u32 s11;
	s13 =	sadd.s32 $0x1000, s11;
	p3 =	sgt.s32 s17, $0x31  }
0x1a: {  	s19 =	smov.u32 @p3 s13  }
0x1b: {  	p1 =	slt.u32 s12, $0x2;
	s16 =	simm.s32 @p2 $0x0;
	p2 =	sgt.s32 s19, $0xFFF  }
0x1c: {  	s18 =	simm.s32 @!p1 $0x2;
	s19 =	smov.u32 @p2 s2;
	p2 =	sne.s32 s12, s7  }
.Ltmp1:
0x1d: {  	_ =	swait.ge @!p1 [sflag:s18], $0x1000;
	(pc) =	sbr.rel @!p2 .LBB1_6-.Ltmp1, $4  }
0x1e: {  	s15 =	smov.u32 s10;
	[sflag:s18] =	ssyncset.done @!p1 $0x0  }
0x1f: {  	s14 =	smov.u32 s11;
	p0 =	por !p0, !p0;
	[sflag:s18] =	ssyncadd.s32 @!p1 $0xFFFFF000  }
0x20: {  	s17 =	simm.s32 @p3 $0x0;
	s13 =	smov.u32 s9;
	s9 =	smov.u32 s16  }
0x21: {  	s10 =	smov.u32 s17;
	s12 =	sadd.s32 $0x1, s12;
	s11 =	smov.u32 s19  }
.LBB1_1:
0x22: {  	p1 =	sge.u32 s12, s5  }
0x23: {  	s16 =	sand.u32 @!p1 $0x1FFFFFF, s9;
	s18 =	smul.u32 @!p1 $0x4B00, s11  }
0x24: {  	s17 =	smulhi.u32 @!p1 $0xAAAAAAB, s16  }
0x25: {  	s20 =	smul.u32 @!p1 $0x180, s10  }
0x26: {  	s17 =	smul.u32 @!p1 $0x18, s17  }
0x27: {  	s31 =	sadd.s32 $0xFFFFFFFF, s12;
	s18 =	sadd.s32 @!p1 s6, s18  }
0x28: {  	s19 =	sxor.u32 @!p1 $0xFFFFFFFF, s12;
	s18 =	sadd.s32 @!p1 s20, s18;
	s16 =	ssub.s32 @!p1 s16, s17  }
0x29: {  	s17 =	sshll.u32 @!p1 s19, $0xC;
	s19 =	simm.s32 @!p1 $0x25800;
	s16 =	sshll.u32 @!p1 s16, $0x4  }
0x2a: {  	s17 =	sand.u32 @!p1 $0x1000, s17;
	s16 =	sadd.s32 @!p1 s16, s18;
	s18 =	simm.s32 @!p1 $0x20  }
0x2b: {  	[tilespmem:s17], [sflag:$0x1] =	stream.strided.gather @!p1 [hbm4b:s16+s18], $0x1000, s19, s18, $0x38;
	[tilespmem:$0x4040] =	vst v63  }
0x2c: {  	p1 =	sge.u32 s31, s5  }
.Ltmp2:
0x2d: {  	_ = 	snop;
	(pc) =	sbr.rel @p1 .LBB1_5-.Ltmp2, $1  }
0x2e: {  	_ =	sdelay $0x3  }
0x2f: {  	s16 =	simm.s32 $0x1  }
0x30: {  	_ =	swait.ge [sflag:s4], $0x1000;
	s16 =	simm.s32 @!p0 $0x0  }
0x31: {  	[sflag:s4] =	ssyncset.done $0x0;
	s17 =	sshll.u32 s16, $0xC  }
0x32: {  	[sflag:s4] =	ssyncadd.s32 $0xFFFFF000;
	s20 =	sor.u32 $0x10, s17  }
0x33: {  	s16 =	smul.u32 $0x4080, s16;
	v1 =	vld [tilespmem:s20+$0x0]  }
0x34: {  	s30 =	sand.u32 $0x1, s12;
	v0 =	vld [tilespmem:s20+$0xFFFFFFF0]  }
0x35: {  	s17 =	smul.u32 $0x4080, s30;
	s16 =	sshrl.u32 s16, $0x2  }
0x36: {  	s18 =	sor.u32 $0x2000, s16  }
0x37: {  	s31 =	sshrl.u32 s17, $0x2;
	s17 =	sadd.s32 $0x0, s18  }
0x38: {  	s19 =	simm.s32 $0x4;
	s20 =	sadd.s32 $0x20, s20;
	s16 =	sor.u32 $0x2000, s31;
	[tilespmem:s17+$0x810 ss:$0x81] =	vst.msk $0xffff, v1  }
.LBB1_3:
0x39: {  	v1 =	vld [tilespmem:s20+$0x0];
	p1 =	sne.s32 s19, $0x1FC;
	[tilespmem:s17+$0x0 ss:$0x81] =	vst.msk $0xffff, v0;
	s17 =	smov.u32 s19;
	s19 =	sadd.s32 $0x4, s19  }
.Ltmp3:
0x3a: {  	v0 =	vld [tilespmem:s20+$0xFFFFFFF0];
	(pc) =	sbr.rel @p1 .LBB1_3-.Ltmp3, $4  }
0x3b: {  	_ = 	snop  }
0x3c: {  	s17 =	sshra.s32 s17, $0x2  }
0x3d: {  	s17 =	sadd.s32 s17, s18  }
0x3e: {  	s20 =	sadd.s32 $0x20, s20;
	[tilespmem:s17+$0x810 ss:$0x81] =	vst.msk $0xffff, v1  }
.Ltmp4:
0x3f: {  	_ = 	snop;
	(pc) =	sbr.rel .LBB1_4-.Ltmp4, $1  }
0x40: {  	_ =	sdelay $0x3  }
.LBB1_6:
0x41: {  	_ =	sfence.sel $0x180000  }
0x42: {  	s2 =	simm.s32 $0x1;
	[bflag:$0x0] =	sbarrier.arrive $0xFFFF  }
0x43: {  	s31 =	simm.s32 $0x2;
	[sflag:s2] =	ssyncpa.u1 $0x1  }
0x44: {  	[sflag:s31] =	ssyncpa.u1 $0x1  }
0x45: {  	p0 =	sne.s32 s0, $0x0;
	_ =	strace $0x9000004A  }
0x46: {  	s0 =	sadd.s32 @!p0 $0x100000, s1;
	[bflag:$0x2] =	sbarrier.arrive $0xFFFF  }
0x47: {  	[sflag:s0] =	ssyncadd.tile.s32 @!p0 $0x1;
	_ =	shalt  }
.Lfunc_end1:
_tile_overlayer_lowered:
.L_overlay_start_2:
0x48: {  	(tag) =	ssettag $0x2  }
0x49: {  	s0 =	rddreg [dreg:$0x0];
	s2 =	stileid.u32  }
0x4a: {  	s1 =	rddreg [dreg:$0x1];
	p0 =	sne.s32 s2, $0x0  }
0x4b: {  	s3 =	rddreg [dreg:$0x2];
	[bflag:$0x3] =	sbarrier.arrive $0xFFFF;
	s2 =	simm.s32 @!p0 $0x1C01  }
0x4c: {  	[timem:s3], [sflag:s2] =	dma.local @!p0 [hbm:s0], s1  }
0x4d: {  	s0 =	simm.s32 @!p0 $0x1  }
0x4e: {  	_ =	swait.ge @!p0 [sflag:s0], s1  }
0x4f: {  	s1 =	ssub.s32 @!p0 $0x0, s1;
	[sflag:s0] =	ssyncset.done @!p0 $0x0  }
0x50: {  	[sflag:s0] =	ssyncadd.s32 @!p0 s1  }
0x51: {  	[bflag:$0x3] =	sbarrier.arrive $0xFFFF  }
0x52: {  	_ =	shalt  }

</sc_bundles>
